<compile_context>
chip_gen: v7x
topology: tpu7x:2x2x1
jax: 0.10.2.dev20260603
libtpu: 0.0.44.dev20260713+nightly
codegen_flags: <defaults>
</compile_context>

<pallas_src>
import functools
import math

import jax
import jax.numpy as jnp
from jax import lax
from jax.experimental import pallas as pl
from jax.experimental.pallas import tpu as pltpu

TOPK = 8
LP = 512
LT = 512
SBLK = 5120
NEG = float("-inf")


def _pool_q_kernel(x_ref, wk_ref, bk_ref, q_ref, acc_s):
    i = pl.program_id(0)

    @pl.when(i == 0)
    def _():
        acc_s[...] = jnp.zeros_like(acc_s)

    b = x_ref.shape[0]
    xr = x_ref[...].astype(jnp.bfloat16).astype(jnp.float32)
    acc_s[0:b, :] += jnp.sum(xr, axis=1)

    @pl.when(i == pl.num_programs(0) - 1)
    def _():
        nl = pl.num_programs(0) * x_ref.shape[1]
        xbar = acc_s[0:b, :] * (1.0 / nl)
        wkr = wk_ref[...].astype(jnp.bfloat16).astype(jnp.float32)
        q_ref[...] = (
            jnp.dot(xbar, wkr, preferred_element_type=jnp.float32,
                    precision=lax.Precision.HIGHEST)
            + bk_ref[...]
        )


def _pool_q(x, W_key, b_key2):
    B, L, D = x.shape
    KD = W_key.shape[1]
    return pl.pallas_call(
        _pool_q_kernel,
        grid=(L // LP,),
        in_specs=[
            pl.BlockSpec((B, LP, D), lambda i: (0, i, 0)),
            pl.BlockSpec((D, KD), lambda i: (0, 0)),
            pl.BlockSpec((1, KD), lambda i: (0, 0)),
        ],
        out_specs=pl.BlockSpec((B, KD), lambda i: (0, 0)),
        out_shape=jax.ShapeDtypeStruct((B, KD), jnp.float32),
        scratch_shapes=[pltpu.VMEM((8, D), jnp.float32)],
    )(x, W_key, b_key2)


def _topk_kernel(s_total, q_ref, ck_ref, ti_ref, w_ref, sims_s):
    i = pl.program_id(0)
    B = q_ref.shape[0]
    sblk = ck_ref.shape[0]

    s_blk = lax.dot_general(
        q_ref[...].astype(jnp.bfloat16), ck_ref[...].astype(jnp.bfloat16),
        dimension_numbers=(((1,), (1,)), ((), ())),
        preferred_element_type=jnp.float32,
    )
    gidx = i * sblk + lax.broadcasted_iota(jnp.int32, (B, sblk), 1)
    s_blk = jnp.where(gidx < s_total, s_blk, NEG)
    sims_s[:, pl.ds(i * sblk, sblk)] = s_blk

    @pl.when(i == pl.num_programs(0) - 1)
    def _():
        s = sims_s[...]
        n_pad = s.shape[1]
        iota = lax.broadcasted_iota(jnp.int32, (B, n_pad), 1)
        nv, ni = [], []
        for _ in range(TOPK):
            m = jnp.max(s, axis=1, keepdims=True)
            pos = jnp.min(jnp.where(s == m, iota, n_pad), axis=1,
                          keepdims=True)
            nv.append(m)
            ni.append(pos)
            s = jnp.where(iota == pos, NEG, s)
        tv = jnp.concatenate(nv, axis=1)
        ti = jnp.concatenate(ni, axis=1)
        e = jnp.exp(tv - tv[:, 0:1])
        w = e / jnp.sum(e, axis=1, keepdims=True)
        conf = jnp.mean(w[:, 0:1])
        ti_flat = jnp.concatenate(
            [ti[b:b + 1, :] for b in range(B)], axis=1)
        ti_ref[0:1, 0:B * TOPK] = ti_flat
        w_ref[0:B, 0:TOPK] = w
        w_ref[B:B + 1, 0:1] = jnp.reshape(conf, (1, 1))


def _sims_topk(q, cube_keys):
    B = q.shape[0]
    S, KD = cube_keys.shape
    nblk = (S + SBLK - 1) // SBLK
    return pl.pallas_call(
        functools.partial(_topk_kernel, S),
        grid=(nblk,),
        in_specs=[
            pl.BlockSpec((B, KD), lambda i: (0, 0)),
            pl.BlockSpec((SBLK, KD), lambda i: (i, 0)),
        ],
        out_specs=[
            pl.BlockSpec((8, 128), lambda i: (0, 0)),
            pl.BlockSpec((8, 128), lambda i: (0, 0)),
        ],
        out_shape=[
            jax.ShapeDtypeStruct((8, 128), jnp.int32),
            jax.ShapeDtypeStruct((8, 128), jnp.float32),
        ],
        scratch_shapes=[
            pltpu.VMEM((B, nblk * SBLK), jnp.float32),
        ],
    )(q, cube_keys)


def _gather_rows(cube_values, idx_flat, n):
    from jax.experimental.pallas import tpu_sc as plsc

    VD = cube_values.shape[1]
    mesh = plsc.VectorSubcoreMesh(core_axis_name="c", subcore_axis_name="s")

    @functools.partial(
        pl.kernel,
        mesh=mesh,
        out_type=jax.ShapeDtypeStruct((n, VD), jnp.float32),
        scratch_types=[
            pltpu.VMEM((n,), jnp.int32),
            pltpu.VMEM((n, VD), jnp.float32),
            pltpu.SemaphoreType.DMA,
        ],
    )
    def k(cv_hbm, idx_hbm, out_hbm, idx_v, rows_v, sem):
        wid = lax.axis_index("c") * 16 + lax.axis_index("s")

        @pl.when(wid == 0)
        def _():
            pltpu.sync_copy(idx_hbm.at[pl.ds(0, n)], idx_v)
            pltpu.async_copy(cv_hbm.at[idx_v], rows_v, sem).wait()
            pltpu.sync_copy(rows_v, out_hbm)

    return k(cube_values, idx_flat)


def _main_kernel(x_ref, g_ref, w_ref, c_ref, wm_ref, bm_ref, wg1_ref,
                 bg1_ref, wg2_ref, bg2_ref, lng_ref, lnb_ref,
                 out_ref, mem_s):
    l = pl.program_id(1)
    d = x_ref.shape[2]
    xb = x_ref[0]
    conf = c_ref[0, 0, 0]

    @pl.when(l == 0)
    def _():
        mv = jnp.dot(w_ref[0, :, 0:TOPK], g_ref[0],
                     preferred_element_type=jnp.float32,
                     precision=lax.Precision.HIGHEST)
        mem_s[0:1, :] = (
            jnp.dot(mv, wm_ref[...], preferred_element_type=jnp.float32,
                    precision=lax.Precision.HIGHEST)
            + bm_ref[...]
        )

    mem = mem_s[0:1, :]
    h = (
        jnp.dot(xb.astype(jnp.bfloat16),
                wg1_ref[0:d, :].astype(jnp.bfloat16),
                preferred_element_type=jnp.float32)
        + conf * wg1_ref[d:d + 1, :]
        + bg1_ref[...]
    )
    h = 0.5 * h * (1.0 + lax.erf(h * (1.0 / math.sqrt(2.0))))
    ap = jnp.sum(h * wg2_ref[...], axis=1, keepdims=True) + bg2_ref[...]
    alpha = jax.nn.sigmoid(ap)

    y = xb + (1.0 - alpha) * mem
    mu = jnp.mean(y, axis=1, keepdims=True)
    yc = y - mu
    var = jnp.mean(yc * yc, axis=1, keepdims=True)
    out_ref[0] = yc * lax.rsqrt(var + 1e-5) * lng_ref[...] + lnb_ref[...]


def _main(x, g3, w3, W_mem, bm2, Wg1, bg12, wg2r, bg22, lng2, lnb2):
    B, L, D = x.shape
    K, VD = g3.shape[1], g3.shape[2]
    H = Wg1.shape[1]
    return pl.pallas_call(
        _main_kernel,
        grid=(B, L // LT),
        in_specs=[
            pl.BlockSpec((1, LT, D), lambda b, l: (b, l, 0)),
            pl.BlockSpec((1, K, VD), lambda b, l: (b, 0, 0)),
            pl.BlockSpec((1, 1, 128), lambda b, l: (b, 0, 0)),
            pl.BlockSpec((1, 1, 128), lambda b, l: (B, 0, 0)),
            pl.BlockSpec((VD, D), lambda b, l: (0, 0)),
            pl.BlockSpec((1, D), lambda b, l: (0, 0)),
            pl.BlockSpec((D + 1, H), lambda b, l: (0, 0)),
            pl.BlockSpec((1, H), lambda b, l: (0, 0)),
            pl.BlockSpec((1, H), lambda b, l: (0, 0)),
            pl.BlockSpec((1, 1), lambda b, l: (0, 0)),
            pl.BlockSpec((1, D), lambda b, l: (0, 0)),
            pl.BlockSpec((1, D), lambda b, l: (0, 0)),
        ],
        out_specs=pl.BlockSpec((1, LT, D), lambda b, l: (b, l, 0)),
        out_shape=jax.ShapeDtypeStruct((B, L, D), jnp.float32),
        scratch_shapes=[pltpu.VMEM((8, D), jnp.float32)],
    )(x, g3, w3, w3, W_mem, bm2, Wg1, bg12, wg2r, bg22, lng2, lnb2)


def kernel(x, W_key, b_key, cube_keys, cube_values, W_mem, b_mem,
           Wg1, bg1, Wg2, bg2, ln_g, ln_b):
    B, L, D = x.shape
    KD = W_key.shape[1]
    VD = cube_values.shape[1]
    H = Wg1.shape[1]

    q = _pool_q(x, W_key, b_key.reshape(1, KD))
    ti_p, w_p = _sims_topk(q, cube_keys)
    ti_p, w_p = _sims_topk(q, cube_keys)
    gathered = _gather_rows(cube_values, ti_p.reshape(8 * 128),
                            B * TOPK)

    out = _main(
        x,
        gathered.reshape(B, TOPK, VD),
        w_p.reshape(8, 1, 128),
        W_mem,
        b_mem.reshape(1, D),
        Wg1,
        bg1.reshape(1, H),
        Wg2.reshape(1, H),
        bg2.reshape(1, 1),
        ln_g.reshape(1, D),
        ln_b.reshape(1, D),
    )
    return out

# --- scband reference (transcript-rebuilt; emitter-appended) ---
"""Pipeline reference for scband-cube-gated-block-15487652069432 (READ-ONLY COPY).

The authoritative reference and input builder live on the scoring server;
editing this copy changes nothing except your own understanding.
"""

import jax, jax.numpy as jnp
import numpy as np

B, L, D = 4, 2048, 1024
KD, VD, S, H, TOPK = 64, 256, 100000, 256, 8

def setup_inputs(seed: int = 0) -> dict:
    key = jax.random.key(seed)
    ks = jax.random.split(key, 8)
    return {
        "x": jax.random.normal(ks[0], (B, L, D), dtype=jnp.float32),
        "W_key": jax.random.normal(ks[1], (D, KD), dtype=jnp.float32) * 0.02,
        "b_key": jnp.zeros((KD,), dtype=jnp.float32),
        "cube_keys": jax.random.normal(ks[2], (S, KD), dtype=jnp.float32),
        "cube_values": jax.random.normal(ks[3], (S, VD), dtype=jnp.float32),
        "W_mem": jax.random.normal(ks[4], (VD, D), dtype=jnp.float32) * 0.02,
        "b_mem": jnp.zeros((D,), dtype=jnp.float32),
        "Wg1": jax.random.normal(ks[5], (D + 1, H), dtype=jnp.float32) * 0.02,
        "bg1": jnp.zeros((H,), dtype=jnp.float32),
        "Wg2": jax.random.normal(ks[6], (H, 1), dtype=jnp.float32) * 0.02,
        "bg2": jnp.zeros((1,), dtype=jnp.float32),
        "ln_g": jnp.ones((D,), dtype=jnp.float32),
        "ln_b": jnp.zeros((D,), dtype=jnp.float32),
    }

def reference(x, W_key, b_key, cube_keys, cube_values, W_mem, b_mem, Wg1, bg1, Wg2, bg2, ln_g, ln_b):
    b, l, d = x.shape
    # learned key: mean-pooled projection
    q = jnp.mean(x @ W_key + b_key, axis=1)  # [B, KD]
    # memory cube top-k retrieval
    sims = q @ cube_keys.T  # [B, S]
    topv, topi = jax.lax.top_k(sims, TOPK)  # [B, K]
    w = jax.nn.softmax(topv, axis=-1)  # [B, K]
    gathered = jnp.take(cube_values, topi, axis=0)  # [B, K, VD]
    mem_val = jnp.sum(w[..., None] * gathered, axis=1)  # [B, VD]
    # confidence = mean concentration of retrieval weights (detached scalar in torch)
    conf = jax.lax.stop_gradient(jnp.mean(jnp.max(w, axis=-1)))
    mem = (mem_val @ W_mem + b_mem)[:, None, :]
    mem = jnp.broadcast_to(mem, (b, l, d))
    conf_feat = jnp.broadcast_to(conf, (b, l, 1)).astype(x.dtype)
    gi = jnp.concatenate([x, conf_feat], axis=-1)  # [B, L, D+1]
    h = jax.nn.gelu(gi @ Wg1 + bg1, approximate=False)
    alpha = jax.nn.sigmoid(h @ Wg2 + bg2)  # [B, L, 1]
    y = alpha * x + (1.0 - alpha) * (x + mem)
    mu = jnp.mean(y, axis=-1, keepdims=True)
    var = jnp.var(y, axis=-1, keepdims=True)
    out = (y - mu) / jnp.sqrt(var + 1e-5) * ln_g + ln_b
    return out

if __name__ == "__main__":
    import jax
    _d = setup_inputs()
    print(jax.jit(kernel)(*tuple(_d.values())))

</pallas_src>

<mosaic_0001>
#map = affine_map<(d0, d1) -> (0, 0)>
#map1 = affine_map<(d0, d1) -> (0)>
module attributes {stable_mosaic.version = 14 : i64} {
  func.func @k(%arg0: i32, %arg1: i32, %arg2: memref<100000x256xf32, #tpu.memory_space<hbm>>, %arg3: memref<1024xi32, #tpu.memory_space<hbm>>, %arg4: memref<32x256xf32, #tpu.memory_space<hbm>>, %arg5: memref<32xi32, #tpu.memory_space<vmem>>, %arg6: memref<32x256xf32, #tpu.memory_space<vmem>>, %arg7: memref<!tpu.dma_semaphore, #tpu.memory_space<semaphore_mem>>) attributes {dimension_semantics = [#tpu.dimension_semantics<core_parallel>, #tpu.dimension_semantics<subcore_parallel>], iteration_bounds = array<i64: 2, 16>, scalar_prefetch = 0 : i64, scratch_operands = 3 : i64, tpu.core_type = #tpu.core_type<sc_vector_subcore>, window_params = [{transform_indices = #map}, {transform_indices = #map1}, {transform_indices = #map}]} {
    %mul3A = arith.constant 16 : i32
    %mul3A_0 = arith.muli %arg0, %mul3A : i32
    %add3A = arith.addi %mul3A_0, %arg1 : i32
    %eq3A = arith.constant 0 : i32
    %eq3A_1 = arith.cmpi eq, %add3A, %eq3A : i32
    %convert_element_type3A = arith.extui %eq3A_1 : i1 to i32
    %cond3A = arith.constant 0 : i32
    %cond3A_2 = arith.cmpi ne, %convert_element_type3A, %cond3A : i32
    scf.if %cond3A_2 {
      "tpu.region"() ({
        %run_scoped3A = tpu.sem_alloc : memref<!tpu.dma_semaphore, #tpu.memory_space<semaphore_mem>>
        %dma_start3A_7 = arith.constant 0 : i32
        %dma_start3A_8 = tpu.memref_slice %arg3[%dma_start3A_7] : memref<1024xi32, #tpu.memory_space<hbm>> -> memref<32xi32, #tpu.memory_space<hbm>>
        %dma_start3A_9 = arith.constant 0 : i32
        %dma_start3A_10 = tpu.memref_slice %arg3[%dma_start3A_9] : memref<1024xi32, #tpu.memory_space<hbm>> -> memref<32xi32, #tpu.memory_space<hbm>>
        tpu.enqueue_dma source(%dma_start3A_10 : memref<32xi32, #tpu.memory_space<hbm>>) target(%arg5 : memref<32xi32, #tpu.memory_space<vmem>>) target_semaphore(%run_scoped3A : memref<!tpu.dma_semaphore, #tpu.memory_space<semaphore_mem>>)
        %dma_wait3A_11 = arith.constant 0 : i32
        %dma_wait3A_12 = tpu.memref_slice %arg3[%dma_wait3A_11] : memref<1024xi32, #tpu.memory_space<hbm>> -> memref<32xi32, #tpu.memory_space<hbm>>
        %dma_wait3A_13 = arith.constant 0 : i32
        %dma_wait3A_14 = tpu.memref_slice %arg3[%dma_wait3A_13] : memref<1024xi32, #tpu.memory_space<hbm>> -> memref<32xi32, #tpu.memory_space<hbm>>
        tpu.wait_dma2 semaphore(%run_scoped3A : memref<!tpu.dma_semaphore, #tpu.memory_space<semaphore_mem>>) src(%dma_wait3A_14 : memref<32xi32, #tpu.memory_space<hbm>>) dst(%arg5 : memref<32xi32, #tpu.memory_space<vmem>>)
        tpu.yield
      }) : () -> ()
      %dma_start3A = arith.constant 0 : i32
      %dma_start3A_3 = arith.constant 0 : i32
      %dma_start3A_4 = tpu.memref_slice %arg2[%dma_start3A, %dma_start3A_3] : memref<100000x256xf32, #tpu.memory_space<hbm>> -> memref<100000x256xf32, #tpu.memory_space<hbm>>
      tpu.enqueue_indirect_dma source(%dma_start3A_4 : memref<100000x256xf32, #tpu.memory_space<hbm>>) target(%arg6 : memref<32x256xf32, #tpu.memory_space<vmem>>) offsets(%arg5 : memref<32xi32, #tpu.memory_space<vmem>>) semaphore(%arg7 : memref<!tpu.dma_semaphore, #tpu.memory_space<semaphore_mem>>)
      %dma_wait3A = arith.constant 0 : i32
      %dma_wait3A_5 = arith.constant 0 : i32
      %dma_wait3A_6 = tpu.memref_slice %arg2[%dma_wait3A, %dma_wait3A_5] : memref<100000x256xf32, #tpu.memory_space<hbm>> -> memref<100000x256xf32, #tpu.memory_space<hbm>>
      tpu.wait_indirect_dma semaphore(%arg7 : memref<!tpu.dma_semaphore, #tpu.memory_space<semaphore_mem>>) src(%dma_wait3A_6 : memref<100000x256xf32, #tpu.memory_space<hbm>>) dst(%arg6 : memref<32x256xf32, #tpu.memory_space<vmem>>)
      "tpu.region"() ({
        %run_scoped3A = tpu.sem_alloc : memref<!tpu.dma_semaphore, #tpu.memory_space<semaphore_mem>>
        tpu.enqueue_dma source(%arg6 : memref<32x256xf32, #tpu.memory_space<vmem>>) target(%arg4 : memref<32x256xf32, #tpu.memory_space<hbm>>) target_semaphore(%run_scoped3A : memref<!tpu.dma_semaphore, #tpu.memory_space<semaphore_mem>>)
        tpu.wait_dma2 semaphore(%run_scoped3A : memref<!tpu.dma_semaphore, #tpu.memory_space<semaphore_mem>>) src(%arg6 : memref<32x256xf32, #tpu.memory_space<vmem>>) dst(%arg4 : memref<32x256xf32, #tpu.memory_space<hbm>>)
        tpu.yield
      }) : () -> ()
    } else {
    }
    return
  }
}

module attributes {stable_mosaic.version = 14 : i64} {
  func.func @_topk_kernel(%arg0: i32, %arg1: memref<4x64xf32, #tpu.memory_space<vmem>>, %arg2: memref<5120x64xf32, #tpu.memory_space<vmem>>, %arg3: memref<8x128xi32, #tpu.memory_space<vmem>>, %arg4: memref<8x128xf32, #tpu.memory_space<vmem>>, %arg5: memref<4x102400xf32, #tpu.memory_space<vmem>>) attributes {dimension_semantics = [#tpu.dimension_semantics<arbitrary>], iteration_bounds = array<i64: 20>, scalar_prefetch = 0 : i64, scratch_operands = 1 : i64, tpu.core_type = #tpu.core_type<tc>, window_params = [{pipeline_mode = #tpu.pipeline_mode<synchronous>, transform_indices = @transform_0, window_bounds = array<i64: 4, 64>}, {transform_indices = @transform_1, window_bounds = array<i64: 5120, 64>}, {pipeline_mode = #tpu.pipeline_mode<synchronous>, transform_indices = @transform_2, window_bounds = array<i64: 8, 128>}, {pipeline_mode = #tpu.pipeline_mode<synchronous>, transform_indices = @transform_3, window_bounds = array<i64: 8, 128>}]} {
    %get3A = arith.constant 0 : index
    %get3A_0 = arith.constant 0 : index
    %get3A_1 = vector.load %arg1[%get3A, %get3A_0] : memref<4x64xf32, #tpu.memory_space<vmem>>, vector<4x64xf32>
    %convert_element_type3A = arith.truncf %get3A_1 : vector<4x64xf32> to vector<4x64xbf16>
    %get3A_2 = arith.constant 0 : index
    %get3A_3 = arith.constant 0 : index
    %get3A_4 = vector.load %arg2[%get3A_2, %get3A_3] : memref<5120x64xf32, #tpu.memory_space<vmem>>, vector<5120x64xf32>
    %convert_element_type3A_5 = arith.truncf %get3A_4 : vector<5120x64xf32> to vector<5120x64xbf16>
    %dot_general3A = arith.constant dense<0.000000e+00> : vector<4x5120xf32>
    %dot_general3A_6 = tpu.matmul %convert_element_type3A, %convert_element_type3A_5, %dot_general3A {dimension_numbers = #tpu.dot_dimension_numbers<[1], [1], [0], [0], [0, 0, 1, 0], [], []>, transpose_lhs_hint = false} : vector<4x64xbf16>, vector<5120x64xbf16>, vector<4x5120xf32> -> vector<4x5120xf32>
    %mul3A = arith.constant 5120 : i32
    %mul3A_7 = arith.muli %arg0, %mul3A : i32
    %iota3A = tpu.iota {dimensions = array<i32: 1>} : vector<4x5120xi32>
    %add3A = vector.broadcast %mul3A_7 : i32 to vector<4x5120xi32>
    %add3A_8 = arith.addi %add3A, %iota3A : vector<4x5120xi32>
    %lt3A = arith.constant 100000 : i32
    %lt3A_9 = vector.broadcast %lt3A : i32 to vector<4x5120xi32>
    %lt3A_10 = arith.cmpi slt, %add3A_8, %lt3A_9 : vector<4x5120xi32>
    %jit3A = arith.constant 0xFF800000 : f32
    %broadcast_in_dim3A = vector.broadcast %jit3A : f32 to vector<4x5120xf32>
    %select_n3A = arith.select %lt3A_10, %dot_general3A_6, %broadcast_in_dim3A : vector<4x5120xi1>, vector<4x5120xf32>
    %mul3A_11 = arith.constant 5120 : i32
    %mul3A_12 = arith.muli %arg0, %mul3A_11 : i32
    %swap3A = arith.constant 0 : index
    %swap3A_13 = arith.index_cast %mul3A_12 : i32 to index
    %swap3A_14 = vector.load %arg5[%swap3A, %swap3A_13] : memref<4x102400xf32, #tpu.memory_space<vmem>>, vector<4x5120xf32>
    tpu.vector_store %arg5[%swap3A, %swap3A_13], %select_n3A {strides = array<i32>} : memref<4x102400xf32, #tpu.memory_space<vmem>>, vector<4x5120xf32>,
    %eq3A = arith.constant 19 : i32
    %eq3A_15 = arith.cmpi eq, %arg0, %eq3A : i32
    %convert_element_type3A_16 = arith.extui %eq3A_15 : i1 to i32
    %cond3A = arith.constant 0 : i32
    %cond3A_17 = arith.cmpi ne, %convert_element_type3A_16, %cond3A : i32
    scf.if %cond3A_17 {
      %get3A_18 = arith.constant 0 : index
      %get3A_19 = arith.constant 0 : index
      %get3A_20 = vector.load %arg5[%get3A_18, %get3A_19] : memref<4x102400xf32, #tpu.memory_space<vmem>>, vector<4x102400xf32>
      %iota3A_21 = tpu.iota {dimensions = array<i32: 1>} : vector<4x102400xi32>
      %reduce_max3A = arith.constant dense<0xFF800000> : vector<4xf32>
      %reduce_max3A_22 = vector.multi_reduction <maximumf>, %get3A_20, %reduce_max3A [1] : vector<4x102400xf32> to vector<4xf32>
      %broadcast_in_dim3A_23 = vector.shape_cast %reduce_max3A_22 : vector<4xf32> to vector<4x1xf32>
      %eq3A_24 = vector.broadcast %broadcast_in_dim3A_23 : vector<4x1xf32> to vector<4x102400xf32>
      %eq3A_25 = arith.cmpf oeq, %get3A_20, %eq3A_24 : vector<4x102400xf32>
      %jit3A_26 = arith.constant 102400 : i32
      %broadcast_in_dim3A_27 = vector.broadcast %jit3A_26 : i32 to vector<4x102400xi32>
      %select_n3A_28 = arith.select %eq3A_25, %iota3A_21, %broadcast_in_dim3A_27 : vector<4x102400xi1>, vector<4x102400xi32>
      %reduce_min3A = arith.constant dense<2147483647> : vector<4xi32>
      %reduce_min3A_29 = vector.multi_reduction <minsi>, %select_n3A_28, %reduce_min3A [1] : vector<4x102400xi32> to vector<4xi32>
      %broadcast_in_dim3A_30 = vector.shape_cast %reduce_min3A_29 : vector<4xi32> to vector<4x1xi32>
      %eq3A_31 = vector.broadcast %broadcast_in_dim3A_30 : vector<4x1xi32> to vector<4x102400xi32>
      %eq3A_32 = arith.cmpi eq, %iota3A_21, %eq3A_31 : vector<4x102400xi32>
      %jit3A_33 = arith.constant 0xFF800000 : f32
      %broadcast_in_dim3A_34 = vector.broadcast %jit3A_33 : f32 to vector<4x102400xf32>
      %select_n3A_35 = arith.select %eq3A_32, %broadcast_in_dim3A_34, %get3A_20 : vector<4x102400xi1>, vector<4x102400xf32>
      %reduce_max3A_36 = arith.constant dense<0xFF800000> : vector<4xf32>
      %reduce_max3A_37 = vector.multi_reduction <maximumf>, %select_n3A_35, %reduce_max3A_36 [1] : vector<4x102400xf32> to vector<4xf32>
      %broadcast_in_dim3A_38 = vector.shape_cast %reduce_max3A_37 : vector<4xf32> to vector<4x1xf32>
      %eq3A_39 = vector.broadcast %broadcast_in_dim3A_38 : vector<4x1xf32> to vector<4x102400xf32>
      %eq3A_40 = arith.cmpf oeq, %select_n3A_35, %eq3A_39 : vector<4x102400xf32>
      %jit3A_41 = arith.constant 102400 : i32
      %broadcast_in_dim3A_42 = vector.broadcast %jit3A_41 : i32 to vector<4x102400xi32>
      %select_n3A_43 = arith.select %eq3A_40, %iota3A_21, %broadcast_in_dim3A_42 : vector<4x102400xi1>, vector<4x102400xi32>
      %reduce_min3A_44 = arith.constant dense<2147483647> : vector<4xi32>
      %reduce_min3A_45 = vector.multi_reduction <minsi>, %select_n3A_43, %reduce_min3A_44 [1] : vector<4x102400xi32> to vector<4xi32>
      %broadcast_in_dim3A_46 = vector.shape_cast %reduce_min3A_45 : vector<4xi32> to vector<4x1xi32>
      %eq3A_47 = vector.broadcast %broadcast_in_dim3A_46 : vector<4x1xi32> to vector<4x102400xi32>
      %eq3A_48 = arith.cmpi eq, %iota3A_21, %eq3A_47 : vector<4x102400xi32>
      %jit3A_49 = arith.constant 0xFF800000 : f32
      %broadcast_in_dim3A_50 = vector.broadcast %jit3A_49 : f32 to vector<4x102400xf32>
      %select_n3A_51 = arith.select %eq3A_48, %broadcast_in_dim3A_50, %select_n3A_35 : vector<4x102400xi1>, vector<4x102400xf32>
      %reduce_max3A_52 = arith.constant dense<0xFF800000> : vector<4xf32>
      %reduce_max3A_53 = vector.multi_reduction <maximumf>, %select_n3A_51, %reduce_max3A_52 [1] : vector<4x102400xf32> to vector<4xf32>
      %broadcast_in_dim3A_54 = vector.shape_cast %reduce_max3A_53 : vector<4xf32> to vector<4x1xf32>
      %eq3A_55 = vector.broadcast %broadcast_in_dim3A_54 : vector<4x1xf32> to vector<4x102400xf32>
      %eq3A_56 = arith.cmpf oeq, %select_n3A_51, %eq3A_55 : vector<4x102400xf32>
      %jit3A_57 = arith.constant 102400 : i32
      %broadcast_in_dim3A_58 = vector.broadcast %jit3A_57 : i32 to vector<4x102400xi32>
      %select_n3A_59 = arith.select %eq3A_56, %iota3A_21, %broadcast_in_dim3A_58 : vector<4x102400xi1>, vector<4x102400xi32>
      %reduce_min3A_60 = arith.constant dense<2147483647> : vector<4xi32>
      %reduce_min3A_61 = vector.multi_reduction <minsi>, %select_n3A_59, %reduce_min3A_60 [1] : vector<4x102400xi32> to vector<4xi32>
      %broadcast_in_dim3A_62 = vector.shape_cast %reduce_min3A_61 : vector<4xi32> to vector<4x1xi32>
      %eq3A_63 = vector.broadcast %broadcast_in_dim3A_62 : vector<4x1xi32> to vector<4x102400xi32>
      %eq3A_64 = arith.cmpi eq, %iota3A_21, %eq3A_63 : vector<4x102400xi32>
      %jit3A_65 = arith.constant 0xFF800000 : f32
      %broadcast_in_dim3A_66 = vector.broadcast %jit3A_65 : f32 to vector<4x102400xf32>
      %select_n3A_67 = arith.select %eq3A_64, %broadcast_in_dim3A_66, %select_n3A_51 : vector<4x102400xi1>, vector<4x102400xf32>
      %reduce_max3A_68 = arith.constant dense<0xFF800000> : vector<4xf32>
      %reduce_max3A_69 = vector.multi_reduction <maximumf>, %select_n3A_67, %reduce_max3A_68 [1] : vector<4x102400xf32> to vector<4xf32>
      %broadcast_in_dim3A_70 = vector.shape_cast %reduce_max3A_69 : vector<4xf32> to vector<4x1xf32>
      %eq3A_71 = vector.broadcast %broadcast_in_dim3A_70 : vector<4x1xf32> to vector<4x102400xf32>
      %eq3A_72 = arith.cmpf oeq, %select_n3A_67, %eq3A_71 : vector<4x102400xf32>
      %jit3A_73 = arith.constant 102400 : i32
      %broadcast_in_dim3A_74 = vector.broadcast %jit3A_73 : i32 to vector<4x102400xi32>
      %select_n3A_75 = arith.select %eq3A_72, %iota3A_21, %broadcast_in_dim3A_74 : vector<4x102400xi1>, vector<4x102400xi32>
      %reduce_min3A_76 = arith.constant dense<2147483647> : vector<4xi32>
      %reduce_min3A_77 = vector.multi_reduction <minsi>, %select_n3A_75, %reduce_min3A_76 [1] : vector<4x102400xi32> to vector<4xi32>
      %broadcast_in_dim3A_78 = vector.shape_cast %reduce_min3A_77 : vector<4xi32> to vector<4x1xi32>
      %eq3A_79 = vector.broadcast %broadcast_in_dim3A_78 : vector<4x1xi32> to vector<4x102400xi32>
      %eq3A_80 = arith.cmpi eq, %iota3A_21, %eq3A_79 : vector<4x102400xi32>
      %jit3A_81 = arith.constant 0xFF800000 : f32
      %broadcast_in_dim3A_82 = vector.broadcast %jit3A_81 : f32 to vector<4x102400xf32>
      %select_n3A_83 = arith.select %eq3A_80, %broadcast_in_dim3A_82, %select_n3A_67 : vector<4x102400xi1>, vector<4x102400xf32>
      %reduce_max3A_84 = arith.constant dense<0xFF800000> : vector<4xf32>
      %reduce_max3A_85 = vector.multi_reduction <maximumf>, %select_n3A_83, %reduce_max3A_84 [1] : vector<4x102400xf32> to vector<4xf32>
      %broadcast_in_dim3A_86 = vector.shape_cast %reduce_max3A_85 : vector<4xf32> to vector<4x1xf32>
      %eq3A_87 = vector.broadcast %broadcast_in_dim3A_86 : vector<4x1xf32> to vector<4x102400xf32>
      %eq3A_88 = arith.cmpf oeq, %select_n3A_83, %eq3A_87 : vector<4x102400xf32>
      %jit3A_89 = arith.constant 102400 : i32
      %broadcast_in_dim3A_90 = vector.broadcast %jit3A_89 : i32 to vector<4x102400xi32>
      %select_n3A_91 = arith.select %eq3A_88, %iota3A_21, %broadcast_in_dim3A_90 : vector<4x102400xi1>, vector<4x102400xi32>
      %reduce_min3A_92 = arith.constant dense<2147483647> : vector<4xi32>
      %reduce_min3A_93 = vector.multi_reduction <minsi>, %select_n3A_91, %reduce_min3A_92 [1] : vector<4x102400xi32> to vector<4xi32>
      %broadcast_in_dim3A_94 = vector.shape_cast %reduce_min3A_93 : vector<4xi32> to vector<4x1xi32>
      %eq3A_95 = vector.broadcast %broadcast_in_dim3A_94 : vector<4x1xi32> to vector<4x102400xi32>
      %eq3A_96 = arith.cmpi eq, %iota3A_21, %eq3A_95 : vector<4x102400xi32>
      %jit3A_97 = arith.constant 0xFF800000 : f32
      %broadcast_in_dim3A_98 = vector.broadcast %jit3A_97 : f32 to vector<4x102400xf32>
      %select_n3A_99 = arith.select %eq3A_96, %broadcast_in_dim3A_98, %select_n3A_83 : vector<4x102400xi1>, vector<4x102400xf32>
      %reduce_max3A_100 = arith.constant dense<0xFF800000> : vector<4xf32>
      %reduce_max3A_101 = vector.multi_reduction <maximumf>, %select_n3A_99, %reduce_max3A_100 [1] : vector<4x102400xf32> to vector<4xf32>
      %broadcast_in_dim3A_102 = vector.shape_cast %reduce_max3A_101 : vector<4xf32> to vector<4x1xf32>
      %eq3A_103 = vector.broadcast %broadcast_in_dim3A_102 : vector<4x1xf32> to vector<4x102400xf32>
      %eq3A_104 = arith.cmpf oeq, %select_n3A_99, %eq3A_103 : vector<4x102400xf32>
      %jit3A_105 = arith.constant 102400 : i32
      %broadcast_in_dim3A_106 = vector.broadcast %jit3A_105 : i32 to vector<4x102400xi32>
      %select_n3A_107 = arith.select %eq3A_104, %iota3A_21, %broadcast_in_dim3A_106 : vector<4x102400xi1>, vector<4x102400xi32>
      %reduce_min3A_108 = arith.constant dense<2147483647> : vector<4xi32>
      %reduce_min3A_109 = vector.multi_reduction <minsi>, %select_n3A_107, %reduce_min3A_108 [1] : vector<4x102400xi32> to vector<4xi32>
      %broadcast_in_dim3A_110 = vector.shape_cast %reduce_min3A_109 : vector<4xi32> to vector<4x1xi32>
      %eq3A_111 = vector.broadcast %broadcast_in_dim3A_110 : vector<4x1xi32> to vector<4x102400xi32>
      %eq3A_112 = arith.cmpi eq, %iota3A_21, %eq3A_111 : vector<4x102400xi32>
      %jit3A_113 = arith.constant 0xFF800000 : f32
      %broadcast_in_dim3A_114 = vector.broadcast %jit3A_113 : f32 to vector<4x102400xf32>
      %select_n3A_115 = arith.select %eq3A_112, %broadcast_in_dim3A_114, %select_n3A_99 : vector<4x102400xi1>, vector<4x102400xf32>
      %reduce_max3A_116 = arith.constant dense<0xFF800000> : vector<4xf32>
      %reduce_max3A_117 = vector.multi_reduction <maximumf>, %select_n3A_115, %reduce_max3A_116 [1] : vector<4x102400xf32> to vector<4xf32>
      %broadcast_in_dim3A_118 = vector.shape_cast %reduce_max3A_117 : vector<4xf32> to vector<4x1xf32>
      %eq3A_119 = vector.broadcast %broadcast_in_dim3A_118 : vector<4x1xf32> to vector<4x102400xf32>
      %eq3A_120 = arith.cmpf oeq, %select_n3A_115, %eq3A_119 : vector<4x102400xf32>
      %jit3A_121 = arith.constant 102400 : i32
      %broadcast_in_dim3A_122 = vector.broadcast %jit3A_121 : i32 to vector<4x102400xi32>
      %select_n3A_123 = arith.select %eq3A_120, %iota3A_21, %broadcast_in_dim3A_122 : vector<4x102400xi1>, vector<4x102400xi32>
      %reduce_min3A_124 = arith.constant dense<2147483647> : vector<4xi32>
      %reduce_min3A_125 = vector.multi_reduction <minsi>, %select_n3A_123, %reduce_min3A_124 [1] : vector<4x102400xi32> to vector<4xi32>
      %broadcast_in_dim3A_126 = vector.shape_cast %reduce_min3A_125 : vector<4xi32> to vector<4x1xi32>
      %eq3A_127 = vector.broadcast %broadcast_in_dim3A_126 : vector<4x1xi32> to vector<4x102400xi32>
      %eq3A_128 = arith.cmpi eq, %iota3A_21, %eq3A_127 : vector<4x102400xi32>
      %jit3A_129 = arith.constant 0xFF800000 : f32
      %broadcast_in_dim3A_130 = vector.broadcast %jit3A_129 : f32 to vector<4x102400xf32>
      %select_n3A_131 = arith.select %eq3A_128, %broadcast_in_dim3A_130, %select_n3A_115 : vector<4x102400xi1>, vector<4x102400xf32>
      %reduce_max3A_132 = arith.constant dense<0xFF800000> : vector<4xf32>
      %reduce_max3A_133 = vector.multi_reduction <maximumf>, %select_n3A_131, %reduce_max3A_132 [1] : vector<4x102400xf32> to vector<4xf32>
      %broadcast_in_dim3A_134 = vector.shape_cast %reduce_max3A_133 : vector<4xf32> to vector<4x1xf32>
      %eq3A_135 = vector.broadcast %broadcast_in_dim3A_134 : vector<4x1xf32> to vector<4x102400xf32>
      %eq3A_136 = arith.cmpf oeq, %select_n3A_131, %eq3A_135 : vector<4x102400xf32>
      %jit3A_137 = arith.constant 102400 : i32
      %broadcast_in_dim3A_138 = vector.broadcast %jit3A_137 : i32 to vector<4x102400xi32>
      %select_n3A_139 = arith.select %eq3A_136, %iota3A_21, %broadcast_in_dim3A_138 : vector<4x102400xi1>, vector<4x102400xi32>
      %reduce_min3A_140 = arith.constant dense<2147483647> : vector<4xi32>
      %reduce_min3A_141 = vector.multi_reduction <minsi>, %select_n3A_139, %reduce_min3A_140 [1] : vector<4x102400xi32> to vector<4xi32>
      %broadcast_in_dim3A_142 = vector.shape_cast %reduce_min3A_141 : vector<4xi32> to vector<4x1xi32>
      %concatenate3A = tpu.concatenate %broadcast_in_dim3A_23, %broadcast_in_dim3A_38, %broadcast_in_dim3A_54, %broadcast_in_dim3A_70, %broadcast_in_dim3A_86, %broadcast_in_dim3A_102, %broadcast_in_dim3A_118, %broadcast_in_dim3A_134 in 1 : vector<4x1xf32>, vector<4x1xf32>, vector<4x1xf32>, vector<4x1xf32>, vector<4x1xf32>, vector<4x1xf32>, vector<4x1xf32>, vector<4x1xf32> -> vector<4x8xf32>
      %concatenate3A_143 = tpu.concatenate %broadcast_in_dim3A_30, %broadcast_in_dim3A_46, %broadcast_in_dim3A_62, %broadcast_in_dim3A_78, %broadcast_in_dim3A_94, %broadcast_in_dim3A_110, %broadcast_in_dim3A_126, %broadcast_in_dim3A_142 in 1 : vector<4x1xi32>, vector<4x1xi32>, vector<4x1xi32>, vector<4x1xi32>, vector<4x1xi32>, vector<4x1xi32>, vector<4x1xi32>, vector<4x1xi32> -> vector<4x8xi32>
      %slice3A = vector.extract_strided_slice %concatenate3A {offsets = [0, 0], sizes = [4, 1], strides = [1, 1]} : vector<4x8xf32> to vector<4x1xf32>
      %sub3A = vector.broadcast %slice3A : vector<4x1xf32> to vector<4x8xf32>
      %sub3A_144 = arith.subf %concatenate3A, %sub3A : vector<4x8xf32>
      %exp3A = math.exp %sub3A_144 : vector<4x8xf32>
      %reduce_sum3A = arith.constant dense<0.000000e+00> : vector<4xf32>
      %reduce_sum3A_145 = vector.multi_reduction <add>, %exp3A, %reduce_sum3A [1] : vector<4x8xf32> to vector<4xf32>
      %broadcast_in_dim3A_146 = vector.shape_cast %reduce_sum3A_145 : vector<4xf32> to vector<4x1xf32>
      %div3A = vector.broadcast %broadcast_in_dim3A_146 : vector<4x1xf32> to vector<4x8xf32>
      %div3A_147 = arith.divf %exp3A, %div3A : vector<4x8xf32>
      %slice3A_148 = vector.extract_strided_slice %div3A_147 {offsets = [0, 0], sizes = [4, 1], strides = [1, 1]} : vector<4x8xf32> to vector<4x1xf32>
      %reduce_sum3A_149 = vector.shape_cast %slice3A_148 : vector<4x1xf32> to vector<1x4x1xf32>
      %reduce_sum3A_150 = arith.constant dense<0.000000e+00> : vector<1xf32>
      %reduce_sum3A_151 = vector.multi_reduction <add>, %reduce_sum3A_149, %reduce_sum3A_150 [1, 2] : vector<1x4x1xf32> to vector<1xf32>
      %reduce_sum3A_152 = vector.shape_cast %reduce_sum3A_151 : vector<1xf32> to vector<1x1x1xf32>
      %reduce_sum3A_153 = vector.extract %reduce_sum3A_152[0, 0, 0] : f32 from vector<1x1x1xf32>
      %div3A_154 = arith.constant 4.000000e+00 : f32
      %div3A_155 = arith.divf %reduce_sum3A_153, %div3A_154 : f32
      %slice3A_156 = vector.extract_strided_slice %concatenate3A_143 {offsets = [0, 0], sizes = [1, 8], strides = [1, 1]} : vector<4x8xi32> to vector<1x8xi32>
      %slice3A_157 = vector.extract_strided_slice %concatenate3A_143 {offsets = [1, 0], sizes = [1, 8], strides = [1, 1]} : vector<4x8xi32> to vector<1x8xi32>
      %slice3A_158 = vector.extract_strided_slice %concatenate3A_143 {offsets = [2, 0], sizes = [1, 8], strides = [1, 1]} : vector<4x8xi32> to vector<1x8xi32>
      %slice3A_159 = vector.extract_strided_slice %concatenate3A_143 {offsets = [3, 0], sizes = [1, 8], strides = [1, 1]} : vector<4x8xi32> to vector<1x8xi32>
      %concatenate3A_160 = tpu.concatenate %slice3A_156, %slice3A_157, %slice3A_158, %slice3A_159 in 1 : vector<1x8xi32>, vector<1x8xi32>, vector<1x8xi32>, vector<1x8xi32> -> vector<1x32xi32>
      %swap3A_161 = arith.constant 0 : index
      %swap3A_162 = arith.constant 0 : index
      %swap3A_163 = vector.load %arg3[%swap3A_161, %swap3A_162] : memref<8x128xi32, #tpu.memory_space<vmem>>, vector<1x32xi32>
      tpu.vector_store %arg3[%swap3A_161, %swap3A_162], %concatenate3A_160 {strides = array<i32>} : memref<8x128xi32, #tpu.memory_space<vmem>>, vector<1x32xi32>,
      %swap3A_164 = arith.constant 0 : index
      %swap3A_165 = arith.constant 0 : index
      %swap3A_166 = vector.load %arg4[%swap3A_164, %swap3A_165] : memref<8x128xf32, #tpu.memory_space<vmem>>, vector<4x8xf32>
      tpu.vector_store %arg4[%swap3A_164, %swap3A_165], %div3A_147 {strides = array<i32>} : memref<8x128xf32, #tpu.memory_space<vmem>>, vector<4x8xf32>,
      %reshape3A = vector.broadcast %div3A_155 : f32 to vector<1x1xf32>
      %swap3A_167 = arith.constant 4 : index
      %swap3A_168 = arith.constant 0 : index
      %swap3A_169 = vector.load %arg4[%swap3A_167, %swap3A_168] : memref<8x128xf32, #tpu.memory_space<vmem>>, vector<1x1xf32>
      tpu.vector_store %arg4[%swap3A_167, %swap3A_168], %reshape3A {strides = array<i32>} : memref<8x128xf32, #tpu.memory_space<vmem>>, vector<1x1xf32>,
    } else {
    }
    return
  }
  func.func @transform_0(%arg0: i32) -> (i32, i32) {
    %c0_i32 = arith.constant 0 : i32
    %c0_i32_0 = arith.constant 0 : i32
    %c0_i32_1 = arith.constant 0 : i32
    return %c0_i32, %c0_i32_0 : i32, i32
  }
  func.func @transform_1(%arg0: i32) -> (i32, i32) {
    %c0_i32 = arith.constant 0 : i32
    %c0_i32_0 = arith.constant 0 : i32
    return %arg0, %c0_i32 : i32, i32
  }
  func.func @transform_2(%arg0: i32) -> (i32, i32) {
    %c0_i32 = arith.constant 0 : i32
    %c0_i32_0 = arith.constant 0 : i32
    %c0_i32_1 = arith.constant 0 : i32
    return %c0_i32, %c0_i32_0 : i32, i32
  }
  func.func @transform_3(%arg0: i32) -> (i32, i32) {
    %c0_i32 = arith.constant 0 : i32
    %c0_i32_0 = arith.constant 0 : i32
    %c0_i32_1 = arith.constant 0 : i32
    return %c0_i32, %c0_i32_0 : i32, i32
  }
}

module attributes {stable_mosaic.version = 14 : i64} {
  func.func @_pool_q_kernel(%arg0: i32, %arg1: memref<4x512x1024xf32, #tpu.memory_space<vmem>>, %arg2: memref<1024x64xf32, #tpu.memory_space<vmem>>, %arg3: memref<1x64xf32, #tpu.memory_space<vmem>>, %arg4: memref<4x64xf32, #tpu.memory_space<vmem>>, %arg5: memref<8x1024xf32, #tpu.memory_space<vmem>>) attributes {dimension_semantics = [#tpu.dimension_semantics<arbitrary>], iteration_bounds = array<i64: 4>, scalar_prefetch = 0 : i64, scratch_operands = 1 : i64, tpu.core_type = #tpu.core_type<tc>, window_params = [{transform_indices = @transform_0, window_bounds = array<i64: 4, 512, 1024>}, {pipeline_mode = #tpu.pipeline_mode<synchronous>, transform_indices = @transform_1, window_bounds = array<i64: 1024, 64>}, {pipeline_mode = #tpu.pipeline_mode<synchronous>, transform_indices = @transform_2, window_bounds = array<i64: 1, 64>}, {pipeline_mode = #tpu.pipeline_mode<synchronous>, transform_indices = @transform_3, window_bounds = array<i64: 4, 64>}]} {
    %eq3A = arith.constant 0 : i32
    %eq3A_0 = arith.cmpi eq, %arg0, %eq3A : i32
    %convert_element_type3A = arith.extui %eq3A_0 : i1 to i32
    %cond3A = arith.constant 0 : i32
    %cond3A_1 = arith.cmpi ne, %convert_element_type3A, %cond3A : i32
    scf.if %cond3A_1 {
      %broadcast_in_dim3A = arith.constant 0.000000e+00 : f32
      %broadcast_in_dim3A_18 = vector.broadcast %broadcast_in_dim3A : f32 to vector<8x1024xf32>
      %swap3A_19 = arith.constant 0 : index
      %swap3A_20 = arith.constant 0 : index
      %swap3A_21 = vector.load %arg5[%swap3A_19, %swap3A_20] : memref<8x1024xf32, #tpu.memory_space<vmem>>, vector<8x1024xf32>
      tpu.vector_store %arg5[%swap3A_19, %swap3A_20], %broadcast_in_dim3A_18 {strides = array<i32>} : memref<8x1024xf32, #tpu.memory_space<vmem>>, vector<8x1024xf32>,
    } else {
    }
    %get3A = arith.constant 0 : index
    %get3A_2 = arith.constant 0 : index
    %get3A_3 = arith.constant 0 : index
    %get3A_4 = vector.load %arg1[%get3A, %get3A_2, %get3A_3] : memref<4x512x1024xf32, #tpu.memory_space<vmem>>, vector<4x512x1024xf32>
    %convert_element_type3A_5 = arith.truncf %get3A_4 : vector<4x512x1024xf32> to vector<4x512x1024xbf16>
    %convert_element_type3A_6 = arith.extf %convert_element_type3A_5 : vector<4x512x1024xbf16> to vector<4x512x1024xf32>
    %get3A_7 = arith.constant 0 : index
    %get3A_8 = arith.constant 0 : index
    %get3A_9 = vector.load %arg5[%get3A_7, %get3A_8] : memref<8x1024xf32, #tpu.memory_space<vmem>>, vector<4x1024xf32>
    %reduce_sum3A = arith.constant dense<0.000000e+00> : vector<4x1024xf32>
    %reduce_sum3A_10 = vector.multi_reduction <add>, %convert_element_type3A_6, %reduce_sum3A [1] : vector<4x512x1024xf32> to vector<4x1024xf32>
    %add3A = arith.addf %get3A_9, %reduce_sum3A_10 : vector<4x1024xf32>
    %swap3A = arith.constant 0 : index
    %swap3A_11 = arith.constant 0 : index
    %swap3A_12 = vector.load %arg5[%swap3A, %swap3A_11] : memref<8x1024xf32, #tpu.memory_space<vmem>>, vector<4x1024xf32>
    tpu.vector_store %arg5[%swap3A, %swap3A_11], %add3A {strides = array<i32>} : memref<8x1024xf32, #tpu.memory_space<vmem>>, vector<4x1024xf32>,
    %eq3A_13 = arith.constant 3 : i32
    %eq3A_14 = arith.cmpi eq, %arg0, %eq3A_13 : i32
    %convert_element_type3A_15 = arith.extui %eq3A_14 : i1 to i32
    %cond3A_16 = arith.constant 0 : i32
    %cond3A_17 = arith.cmpi ne, %convert_element_type3A_15, %cond3A_16 : i32
    scf.if %cond3A_17 {
      %get3A_18 = arith.constant 0 : index
      %get3A_19 = arith.constant 0 : index
      %get3A_20 = vector.load %arg5[%get3A_18, %get3A_19] : memref<8x1024xf32, #tpu.memory_space<vmem>>, vector<4x1024xf32>
      %mul3A = arith.constant 4.8828125E-4 : f32
      %mul3A_21 = vector.broadcast %mul3A : f32 to vector<4x1024xf32>
      %mul3A_22 = arith.mulf %get3A_20, %mul3A_21 : vector<4x1024xf32>
      %get3A_23 = arith.constant 0 : index
      %get3A_24 = arith.constant 0 : index
      %get3A_25 = vector.load %arg2[%get3A_23, %get3A_24] : memref<1024x64xf32, #tpu.memory_space<vmem>>, vector<1024x64xf32>
      %convert_element_type3A_26 = arith.truncf %get3A_25 : vector<1024x64xf32> to vector<1024x64xbf16>
      %convert_element_type3A_27 = arith.extf %convert_element_type3A_26 : vector<1024x64xbf16> to vector<1024x64xf32>
      %dot_general3A = arith.constant dense<0.000000e+00> : vector<4x64xf32>
      %dot_general3A_28 = tpu.matmul %mul3A_22, %convert_element_type3A_27, %dot_general3A {dimension_numbers = #tpu.dot_dimension_numbers<[1], [0], [0], [1], [0, 0, 1, 1], [], []>, precision = #tpu.contract_precision<fp32>, transpose_lhs_hint = false} : vector<4x1024xf32>, vector<1024x64xf32>, vector<4x64xf32> -> vector<4x64xf32>
      %get3A_29 = arith.constant 0 : index
      %get3A_30 = arith.constant 0 : index
      %get3A_31 = vector.load %arg3[%get3A_29, %get3A_30] : memref<1x64xf32, #tpu.memory_space<vmem>>, vector<1x64xf32>
      %add3A_32 = vector.broadcast %get3A_31 : vector<1x64xf32> to vector<4x64xf32>
      %add3A_33 = arith.addf %dot_general3A_28, %add3A_32 : vector<4x64xf32>
      %swap3A_34 = arith.constant 0 : index
      %swap3A_35 = arith.constant 0 : index
      %swap3A_36 = vector.load %arg4[%swap3A_34, %swap3A_35] : memref<4x64xf32, #tpu.memory_space<vmem>>, vector<4x64xf32>
      tpu.vector_store %arg4[%swap3A_34, %swap3A_35], %add3A_33 {strides = array<i32>} : memref<4x64xf32, #tpu.memory_space<vmem>>, vector<4x64xf32>,
    } else {
    }
    return
  }
  func.func @transform_0(%arg0: i32) -> (i32, i32, i32) {
    %c0_i32 = arith.constant 0 : i32
    %c0_i32_0 = arith.constant 0 : i32
    %c0_i32_1 = arith.constant 0 : i32
    return %c0_i32, %arg0, %c0_i32_0 : i32, i32, i32
  }
  func.func @transform_1(%arg0: i32) -> (i32, i32) {
    %c0_i32 = arith.constant 0 : i32
    %c0_i32_0 = arith.constant 0 : i32
    %c0_i32_1 = arith.constant 0 : i32
    return %c0_i32, %c0_i32_0 : i32, i32
  }
  func.func @transform_2(%arg0: i32) -> (i32, i32) {
    %c0_i32 = arith.constant 0 : i32
    %c0_i32_0 = arith.constant 0 : i32
    %c0_i32_1 = arith.constant 0 : i32
    return %c0_i32, %c0_i32_0 : i32, i32
  }
  func.func @transform_3(%arg0: i32) -> (i32, i32) {
    %c0_i32 = arith.constant 0 : i32
    %c0_i32_0 = arith.constant 0 : i32
    %c0_i32_1 = arith.constant 0 : i32
    return %c0_i32, %c0_i32_0 : i32, i32
  }
}

module attributes {stable_mosaic.version = 14 : i64} {
  func.func @_main_kernel(%arg0: i32, %arg1: i32, %arg2: memref<1x512x1024xf32, #tpu.memory_space<vmem>>, %arg3: memref<1x8x256xf32, #tpu.memory_space<vmem>>, %arg4: memref<1x1x128xf32, #tpu.memory_space<vmem>>, %arg5: memref<1x1x128xf32, #tpu.memory_space<vmem>>, %arg6: memref<256x1024xf32, #tpu.memory_space<vmem>>, %arg7: memref<1x1024xf32, #tpu.memory_space<vmem>>, %arg8: memref<1025x256xf32, #tpu.memory_space<vmem>>, %arg9: memref<1x256xf32, #tpu.memory_space<vmem>>, %arg10: memref<1x256xf32, #tpu.memory_space<vmem>>, %arg11: memref<1x1xf32, #tpu.memory_space<vmem>>, %arg12: memref<1x1024xf32, #tpu.memory_space<vmem>>, %arg13: memref<1x1024xf32, #tpu.memory_space<vmem>>, %arg14: memref<1x512x1024xf32, #tpu.memory_space<vmem>>, %arg15: memref<8x1024xf32, #tpu.memory_space<vmem>>) attributes {dimension_semantics = [#tpu.dimension_semantics<arbitrary>, #tpu.dimension_semantics<arbitrary>], iteration_bounds = array<i64: 4, 4>, scalar_prefetch = 0 : i64, scratch_operands = 1 : i64, tpu.core_type = #tpu.core_type<tc>, window_params = [{transform_indices = @transform_0, window_bounds = array<i64: 1, 512, 1024>}, {transform_indices = @transform_1, window_bounds = array<i64: 1, 8, 256>}, {transform_indices = @transform_2, window_bounds = array<i64: 1, 1, 128>}, {transform_indices = @transform_3, window_bounds = array<i64: 1, 1, 128>}, {pipeline_mode = #tpu.pipeline_mode<synchronous>, transform_indices = @transform_4, window_bounds = array<i64: 256, 1024>}, {pipeline_mode = #tpu.pipeline_mode<synchronous>, transform_indices = @transform_5, window_bounds = array<i64: 1, 1024>}, {pipeline_mode = #tpu.pipeline_mode<synchronous>, transform_indices = @transform_6, window_bounds = array<i64: 1025, 256>}, {pipeline_mode = #tpu.pipeline_mode<synchronous>, transform_indices = @transform_7, window_bounds = array<i64: 1, 256>}, {pipeline_mode = #tpu.pipeline_mode<synchronous>, transform_indices = @transform_8, window_bounds = array<i64: 1, 256>}, {pipeline_mode = #tpu.pipeline_mode<synchronous>, transform_indices = @transform_9, window_bounds = array<i64: 1, 1>}, {pipeline_mode = #tpu.pipeline_mode<synchronous>, transform_indices = @transform_10, window_bounds = array<i64: 1, 1024>}, {pipeline_mode = #tpu.pipeline_mode<synchronous>, transform_indices = @transform_11, window_bounds = array<i64: 1, 1024>}, {transform_indices = @transform_12, window_bounds = array<i64: 1, 512, 1024>}]} {
    %get3A = arith.constant 0 : index
    %get3A_0 = arith.constant 0 : index
    %get3A_1 = arith.constant 0 : index
    %get3A_2 = vector.load %arg2[%get3A, %get3A_0, %get3A_1] : memref<1x512x1024xf32, #tpu.memory_space<vmem>>, vector<1x512x1024xf32>
    %get3A_3 = vector.shape_cast %get3A_2 : vector<1x512x1024xf32> to vector<512x1024xf32>
    %get3A_4 = arith.constant 0 : index
    %get3A_5 = arith.constant 0 : index
    %get3A_6 = arith.constant 0 : index
    %get3A_7 = vector.load %arg5[%get3A_4, %get3A_5, %get3A_6] : memref<1x1x128xf32, #tpu.memory_space<vmem>>, vector<1x1x1xf32>
    %get3A_8 = vector.extract %get3A_7[0, 0, 0] : f32 from vector<1x1x1xf32>
    %eq3A = arith.constant 0 : i32
    %eq3A_9 = arith.cmpi eq, %arg1, %eq3A : i32
    %convert_element_type3A = arith.extui %eq3A_9 : i1 to i32
    %cond3A = arith.constant 0 : i32
    %cond3A_10 = arith.cmpi ne, %convert_element_type3A, %cond3A : i32
    scf.if %cond3A_10 {
      %get3A_96 = arith.constant 0 : index
      %get3A_97 = arith.constant 0 : index
      %get3A_98 = arith.constant 0 : index
      %get3A_99 = vector.load %arg4[%get3A_96, %get3A_97, %get3A_98] : memref<1x1x128xf32, #tpu.memory_space<vmem>>, vector<1x1x8xf32>
      %get3A_100 = vector.shape_cast %get3A_99 : vector<1x1x8xf32> to vector<1x8xf32>
      %get3A_101 = arith.constant 0 : index
      %get3A_102 = arith.constant 0 : index
      %get3A_103 = arith.constant 0 : index
      %get3A_104 = vector.load %arg3[%get3A_101, %get3A_102, %get3A_103] : memref<1x8x256xf32, #tpu.memory_space<vmem>>, vector<1x8x256xf32>
      %get3A_105 = vector.shape_cast %get3A_104 : vector<1x8x256xf32> to vector<8x256xf32>
      %dot_general3A_106 = arith.constant dense<0.000000e+00> : vector<1x256xf32>
      %dot_general3A_107 = tpu.matmul %get3A_100, %get3A_105, %dot_general3A_106 {dimension_numbers = #tpu.dot_dimension_numbers<[1], [0], [0], [1], [0, 0, 1, 1], [], []>, precision = #tpu.contract_precision<fp32>, transpose_lhs_hint = false} : vector<1x8xf32>, vector<8x256xf32>, vector<1x256xf32> -> vector<1x256xf32>
      %get3A_108 = arith.constant 0 : index
      %get3A_109 = arith.constant 0 : index
      %get3A_110 = vector.load %arg6[%get3A_108, %get3A_109] : memref<256x1024xf32, #tpu.memory_space<vmem>>, vector<256x1024xf32>
      %dot_general3A_111 = arith.constant dense<0.000000e+00> : vector<1x1024xf32>
      %dot_general3A_112 = tpu.matmul %dot_general3A_107, %get3A_110, %dot_general3A_111 {dimension_numbers = #tpu.dot_dimension_numbers<[1], [0], [0], [1], [0, 0, 1, 1], [], []>, precision = #tpu.contract_precision<fp32>, transpose_lhs_hint = false} : vector<1x256xf32>, vector<256x1024xf32>, vector<1x1024xf32> -> vector<1x1024xf32>
      %get3A_113 = arith.constant 0 : index
      %get3A_114 = arith.constant 0 : index
      %get3A_115 = vector.load %arg7[%get3A_113, %get3A_114] : memref<1x1024xf32, #tpu.memory_space<vmem>>, vector<1x1024xf32>
      %add3A_116 = arith.addf %dot_general3A_112, %get3A_115 : vector<1x1024xf32>
      %swap3A_117 = arith.constant 0 : index
      %swap3A_118 = arith.constant 0 : index
      %swap3A_119 = vector.load %arg15[%swap3A_117, %swap3A_118] : memref<8x1024xf32, #tpu.memory_space<vmem>>, vector<1x1024xf32>
      tpu.vector_store %arg15[%swap3A_117, %swap3A_118], %add3A_116 {strides = array<i32>} : memref<8x1024xf32, #tpu.memory_space<vmem>>, vector<1x1024xf32>,
    } else {
    }
    %get3A_11 = arith.constant 0 : index
    %get3A_12 = arith.constant 0 : index
    %get3A_13 = vector.load %arg15[%get3A_11, %get3A_12] : memref<8x1024xf32, #tpu.memory_space<vmem>>, vector<1x1024xf32>
    %convert_element_type3A_14 = arith.truncf %get3A_3 : vector<512x1024xf32> to vector<512x1024xbf16>
    %get3A_15 = arith.constant 0 : index
    %get3A_16 = arith.constant 0 : index
    %get3A_17 = vector.load %arg8[%get3A_15, %get3A_16] : memref<1025x256xf32, #tpu.memory_space<vmem>>, vector<1024x256xf32>
    %convert_element_type3A_18 = arith.truncf %get3A_17 : vector<1024x256xf32> to vector<1024x256xbf16>
    %dot_general3A = arith.constant dense<0.000000e+00> : vector<512x256xf32>
    %dot_general3A_19 = tpu.matmul %convert_element_type3A_14, %convert_element_type3A_18, %dot_general3A {dimension_numbers = #tpu.dot_dimension_numbers<[1], [0], [0], [1], [0, 0, 1, 1], [], []>, transpose_lhs_hint = false} : vector<512x1024xbf16>, vector<1024x256xbf16>, vector<512x256xf32> -> vector<512x256xf32>
    %get3A_20 = arith.constant 1024 : index
    %get3A_21 = arith.constant 0 : index
    %get3A_22 = vector.load %arg8[%get3A_20, %get3A_21] : memref<1025x256xf32, #tpu.memory_space<vmem>>, vector<1x256xf32>
    %mul3A = vector.broadcast %get3A_8 : f32 to vector<1x256xf32>
    %mul3A_23 = arith.mulf %mul3A, %get3A_22 : vector<1x256xf32>
    %add3A = vector.broadcast %mul3A_23 : vector<1x256xf32> to vector<512x256xf32>
    %add3A_24 = arith.addf %dot_general3A_19, %add3A : vector<512x256xf32>
    %get3A_25 = arith.constant 0 : index
    %get3A_26 = arith.constant 0 : index
    %get3A_27 = vector.load %arg9[%get3A_25, %get3A_26] : memref<1x256xf32, #tpu.memory_space<vmem>>, vector<1x256xf32>
    %add3A_28 = vector.broadcast %get3A_27 : vector<1x256xf32> to vector<512x256xf32>
    %add3A_29 = arith.addf %add3A_24, %add3A_28 : vector<512x256xf32>
    %mul3A_30 = arith.constant 5.000000e-01 : f32
    %mul3A_31 = vector.broadcast %mul3A_30 : f32 to vector<512x256xf32>
    %mul3A_32 = arith.mulf %mul3A_31, %add3A_29 : vector<512x256xf32>
    %mul3A_33 = arith.constant 0.707106769 : f32
    %mul3A_34 = vector.broadcast %mul3A_33 : f32 to vector<512x256xf32>
    %mul3A_35 = arith.mulf %add3A_29, %mul3A_34 : vector<512x256xf32>
    %erf3A = math.erf %mul3A_35 : vector<512x256xf32>
    %add3A_36 = arith.constant 1.000000e+00 : f32
    %add3A_37 = vector.broadcast %add3A_36 : f32 to vector<512x256xf32>
    %add3A_38 = arith.addf %add3A_37, %erf3A : vector<512x256xf32>
    %mul3A_39 = arith.mulf %mul3A_32, %add3A_38 : vector<512x256xf32>
    %get3A_40 = arith.constant 0 : index
    %get3A_41 = arith.constant 0 : index
    %get3A_42 = vector.load %arg10[%get3A_40, %get3A_41] : memref<1x256xf32, #tpu.memory_space<vmem>>, vector<1x256xf32>
    %mul3A_43 = vector.broadcast %get3A_42 : vector<1x256xf32> to vector<512x256xf32>
    %mul3A_44 = arith.mulf %mul3A_39, %mul3A_43 : vector<512x256xf32>
    %reduce_sum3A = arith.constant dense<0.000000e+00> : vector<512xf32>
    %reduce_sum3A_45 = vector.multi_reduction <add>, %mul3A_44, %reduce_sum3A [1] : vector<512x256xf32> to vector<512xf32>
    %broadcast_in_dim3A = vector.shape_cast %reduce_sum3A_45 : vector<512xf32> to vector<512x1xf32>
    %get3A_46 = arith.constant 0 : index
    %get3A_47 = arith.constant 0 : index
    %get3A_48 = vector.load %arg11[%get3A_46, %get3A_47] : memref<1x1xf32, #tpu.memory_space<vmem>>, vector<1x1xf32>
    %add3A_49 = vector.broadcast %get3A_48 : vector<1x1xf32> to vector<512x1xf32>
    %add3A_50 = arith.addf %broadcast_in_dim3A, %add3A_49 : vector<512x1xf32>
    %logistic3A = arith.negf %add3A_50 : vector<512x1xf32>
    %logistic3A_51 = math.exp %logistic3A : vector<512x1xf32>
    %logistic3A_52 = arith.constant 1.000000e+00 : f32
    %logistic3A_53 = vector.broadcast %logistic3A_52 : f32 to vector<512x1xf32>
    %logistic3A_54 = arith.addf %logistic3A_53, %logistic3A_51 : vector<512x1xf32>
    %logistic3A_55 = arith.divf %logistic3A_53, %logistic3A_54 : vector<512x1xf32>
    %sub3A = arith.constant 1.000000e+00 : f32
    %sub3A_56 = vector.broadcast %sub3A : f32 to vector<512x1xf32>
    %sub3A_57 = arith.subf %sub3A_56, %logistic3A_55 : vector<512x1xf32>
    %mul3A_58 = vector.broadcast %sub3A_57 : vector<512x1xf32> to vector<512x1024xf32>
    %mul3A_59 = vector.broadcast %get3A_13 : vector<1x1024xf32> to vector<512x1024xf32>
    %mul3A_60 = arith.mulf %mul3A_58, %mul3A_59 : vector<512x1024xf32>
    %add3A_61 = arith.addf %get3A_3, %mul3A_60 : vector<512x1024xf32>
    %reduce_sum3A_62 = arith.constant dense<0.000000e+00> : vector<512xf32>
    %reduce_sum3A_63 = vector.multi_reduction <add>, %add3A_61, %reduce_sum3A_62 [1] : vector<512x1024xf32> to vector<512xf32>
    %broadcast_in_dim3A_64 = vector.shape_cast %reduce_sum3A_63 : vector<512xf32> to vector<512x1xf32>
    %div3A = arith.constant 1.024000e+03 : f32
    %div3A_65 = vector.broadcast %div3A : f32 to vector<512x1xf32>
    %div3A_66 = arith.divf %broadcast_in_dim3A_64, %div3A_65 : vector<512x1xf32>
    %sub3A_67 = vector.broadcast %div3A_66 : vector<512x1xf32> to vector<512x1024xf32>
    %sub3A_68 = arith.subf %add3A_61, %sub3A_67 : vector<512x1024xf32>
    %mul3A_69 = arith.mulf %sub3A_68, %sub3A_68 : vector<512x1024xf32>
    %reduce_sum3A_70 = arith.constant dense<0.000000e+00> : vector<512xf32>
    %reduce_sum3A_71 = vector.multi_reduction <add>, %mul3A_69, %reduce_sum3A_70 [1] : vector<512x1024xf32> to vector<512xf32>
    %broadcast_in_dim3A_72 = vector.shape_cast %reduce_sum3A_71 : vector<512xf32> to vector<512x1xf32>
    %div3A_73 = arith.constant 1.024000e+03 : f32
    %div3A_74 = vector.broadcast %div3A_73 : f32 to vector<512x1xf32>
    %div3A_75 = arith.divf %broadcast_in_dim3A_72, %div3A_74 : vector<512x1xf32>
    %add3A_76 = arith.constant 9.99999974E-6 : f32
    %add3A_77 = vector.broadcast %add3A_76 : f32 to vector<512x1xf32>
    %add3A_78 = arith.addf %div3A_75, %add3A_77 : vector<512x1xf32>
    %rsqrt3A = math.rsqrt %add3A_78 : vector<512x1xf32>
    %mul3A_79 = vector.broadcast %rsqrt3A : vector<512x1xf32> to vector<512x1024xf32>
    %mul3A_80 = arith.mulf %sub3A_68, %mul3A_79 : vector<512x1024xf32>
    %get3A_81 = arith.constant 0 : index
    %get3A_82 = arith.constant 0 : index
    %get3A_83 = vector.load %arg12[%get3A_81, %get3A_82] : memref<1x1024xf32, #tpu.memory_space<vmem>>, vector<1x1024xf32>
    %mul3A_84 = vector.broadcast %get3A_83 : vector<1x1024xf32> to vector<512x1024xf32>
    %mul3A_85 = arith.mulf %mul3A_80, %mul3A_84 : vector<512x1024xf32>
    %get3A_86 = arith.constant 0 : index
    %get3A_87 = arith.constant 0 : index
    %get3A_88 = vector.load %arg13[%get3A_86, %get3A_87] : memref<1x1024xf32, #tpu.memory_space<vmem>>, vector<1x1024xf32>
    %add3A_89 = vector.broadcast %get3A_88 : vector<1x1024xf32> to vector<512x1024xf32>
    %add3A_90 = arith.addf %mul3A_85, %add3A_89 : vector<512x1024xf32>
    %swap3A = arith.constant 0 : index
    %swap3A_91 = arith.constant 0 : index
    %swap3A_92 = arith.constant 0 : index
    %swap3A_93 = vector.load %arg14[%swap3A, %swap3A_91, %swap3A_92] : memref<1x512x1024xf32, #tpu.memory_space<vmem>>, vector<1x512x1024xf32>
    %swap3A_94 = vector.shape_cast %swap3A_93 : vector<1x512x1024xf32> to vector<512x1024xf32>
    %swap3A_95 = vector.shape_cast %add3A_90 : vector<512x1024xf32> to vector<1x512x1024xf32>
    tpu.vector_store %arg14[%swap3A, %swap3A_91, %swap3A_92], %swap3A_95 {strides = array<i32>} : memref<1x512x1024xf32, #tpu.memory_space<vmem>>, vector<1x512x1024xf32>,
    return
  }
  func.func @transform_0(%arg0: i32, %arg1: i32) -> (i32, i32, i32) {
    %c0_i32 = arith.constant 0 : i32
    %c0_i32_0 = arith.constant 0 : i32
    return %arg0, %arg1, %c0_i32 : i32, i32, i32
  }
  func.func @transform_1(%arg0: i32, %arg1: i32) -> (i32, i32, i32) {
    %c0_i32 = arith.constant 0 : i32
    %c0_i32_0 = arith.constant 0 : i32
    %c0_i32_1 = arith.constant 0 : i32
    return %arg0, %c0_i32, %c0_i32_0 : i32, i32, i32
  }
  func.func @transform_2(%arg0: i32, %arg1: i32) -> (i32, i32, i32) {
    %c0_i32 = arith.constant 0 : i32
    %c0_i32_0 = arith.constant 0 : i32
    %c0_i32_1 = arith.constant 0 : i32
    return %arg0, %c0_i32, %c0_i32_0 : i32, i32, i32
  }
  func.func @transform_3(%arg0: i32, %arg1: i32) -> (i32, i32, i32) {
    %c4_i32 = arith.constant 4 : i32
    %c0_i32 = arith.constant 0 : i32
    %c0_i32_0 = arith.constant 0 : i32
    %c0_i32_1 = arith.constant 0 : i32
    return %c4_i32, %c0_i32, %c0_i32_0 : i32, i32, i32
  }
  func.func @transform_4(%arg0: i32, %arg1: i32) -> (i32, i32) {
    %c0_i32 = arith.constant 0 : i32
    %c0_i32_0 = arith.constant 0 : i32
    %c0_i32_1 = arith.constant 0 : i32
    return %c0_i32, %c0_i32_0 : i32, i32
  }
  func.func @transform_5(%arg0: i32, %arg1: i32) -> (i32, i32) {
    %c0_i32 = arith.constant 0 : i32
    %c0_i32_0 = arith.constant 0 : i32
    %c0_i32_1 = arith.constant 0 : i32
    return %c0_i32, %c0_i32_0 : i32, i32
  }
  func.func @transform_6(%arg0: i32, %arg1: i32) -> (i32, i32) {
    %c0_i32 = arith.constant 0 : i32
    %c0_i32_0 = arith.constant 0 : i32
    %c0_i32_1 = arith.constant 0 : i32
    return %c0_i32, %c0_i32_0 : i32, i32
  }
  func.func @transform_7(%arg0: i32, %arg1: i32) -> (i32, i32) {
    %c0_i32 = arith.constant 0 : i32
    %c0_i32_0 = arith.constant 0 : i32
    %c0_i32_1 = arith.constant 0 : i32
    return %c0_i32, %c0_i32_0 : i32, i32
  }
  func.func @transform_8(%arg0: i32, %arg1: i32) -> (i32, i32) {
    %c0_i32 = arith.constant 0 : i32
    %c0_i32_0 = arith.constant 0 : i32
    %c0_i32_1 = arith.constant 0 : i32
    return %c0_i32, %c0_i32_0 : i32, i32
  }
  func.func @transform_9(%arg0: i32, %arg1: i32) -> (i32, i32) {
    %c0_i32 = arith.constant 0 : i32
    %c0_i32_0 = arith.constant 0 : i32
    %c0_i32_1 = arith.constant 0 : i32
    return %c0_i32, %c0_i32_0 : i32, i32
  }
  func.func @transform_10(%arg0: i32, %arg1: i32) -> (i32, i32) {
    %c0_i32 = arith.constant 0 : i32
    %c0_i32_0 = arith.constant 0 : i32
    %c0_i32_1 = arith.constant 0 : i32
    return %c0_i32, %c0_i32_0 : i32, i32
  }
  func.func @transform_11(%arg0: i32, %arg1: i32) -> (i32, i32) {
    %c0_i32 = arith.constant 0 : i32
    %c0_i32_0 = arith.constant 0 : i32
    %c0_i32_1 = arith.constant 0 : i32
    return %c0_i32, %c0_i32_0 : i32, i32
  }
  func.func @transform_12(%arg0: i32, %arg1: i32) -> (i32, i32, i32) {
    %c0_i32 = arith.constant 0 : i32
    %c0_i32_0 = arith.constant 0 : i32
    return %arg0, %arg1, %c0_i32 : i32, i32, i32
  }
}

</mosaic_0001>

<sc_bundles>
// kernel: kernel.6.cloned.1.call-start
scs
__scs_entry_jumppad:
0x0: {  	(pc) =	sbr.rel $0x88, $3  }
0x1: {  	(tag) =	ssettag $0x0;
	lr =	simm.s32 $0x1  }
0x2: {  	[smem:$0x3F94] =	sst lr;
	_ =	strace $0xD0000000  }
0x3: {  	_ = 	snop  }
0x4: {  	_ = 	snop  }
0x5: {  	_ = 	snop  }
0x6: {  	_ = 	snop  }
0x7: {  	_ = 	snop  }
__scs_overlays_trampoline_lowered:
0x8: {  	[smem:$0x3FA3] =	sst s0  }
0x9: {  	[smem:$0x3FA4] =	sst s1  }
0xa: {  	[smem:$0x3FA5] =	sst s2  }
0xb: {  	[smem:$0x3FA6] =	sst s3  }
0xc: {  	[smem:$0x3FA7] =	sst s4  }
0xd: {  	[smem:$0x3FA8] =	sst s5  }
0xe: {  	[smem:$0x3FA9] =	sst s6  }
0xf: {  	[smem:$0x3FAA] =	sst s7  }
0x10: {  	[smem:$0x3FAB] =	sst s8  }
0x11: {  	[smem:$0x3FAC] =	sst s9;
	s0 =	simm.s32 @!p0 $0x0  }
0x12: {  	s1 =	sld [smem:$0x3F92];
	s0 =	simm.s32 @p0 $0x1  }
0x13: {  	[smem:$0x3FAD] =	sst s0;
	s0 =	simm.s32 @!p1 $0x0  }
0x14: {  	s2 =	sld [smem:$0x3F91];
	s0 =	simm.s32 @p1 $0x1  }
0x15: {  	[smem:$0x3FAE] =	sst s0;
	s0 =	simm.s32 @!p2 $0x0  }
0x16: {  	s3 =	sld [smem:$0x3FDB];
	s0 =	simm.s32 @p2 $0x1  }
0x17: {  	s4 =	simm.s32 $0x1BF5;
	[smem:$0x3FB0] =	sst s0  }
0x18: {  	s0 =	sld [smem:$0x3F93];
	_ =	swait.ge [sflag:s4], $0x0  }
0x19: {  	s7 =	sld [smem:$0x3F94]  }
0x1a: {  	s8 =	sadd.s32 $0xFFFFE003, lr  }
0x1b: {  	s9 =	sadd.s32 $0xFFFFFEF7, lr;
	s5 =	simm.s32 $0xFFFFFFFF;
	p2 =	slt.u32 s8, $0xFFFFF086  }
0x1c: {  	p1 =	slt.u32 s9, $0xF7A;
	s5 =	simm.s32 @!p2 $0x0  }
0x1d: {  	s5 =	simm.s32 @p1 $0x1;
	p0 =	seq.s32 s7, s2  }
0x1e: {  	s7 =	smul.u32 @!p0 $0xF7A, s2;
	p2 =	seq.s32 @!p0 s5, $0x0  }
0x1f: {  	s9 =	smul.u32 $0xF7A, s1;
	s8 =	simm.s32 @!p0 $0x1BF5;
	p2 =	por !p2, p0  }
0x20: {  	[sflag:s8] =	ssyncset.s32 @!p0 $0xFFFFF086;
	s6 =	sadd.s32 @!p0 s3, s7;
	s7 =	simm.s32 @!p0 $0x108  }
0x21: {  	s3 =	sadd.s32 s3, s9;
	s6 =	sadd.s32 @!p0 $0x88, s6;
	s7 =	simm.s32 @p2 $0x1082  }
0x22: {  	[simem:s7], [sflag:s8] =	dma.local @!p0 [hbm:s6], $0xF7A  }
0x23: {  	s9 =	sor.u32 $0xD0000000, s2;
	s6 =	simm.s32 $0x108;
	_ =	swait.ge @!p0 [sflag:s8], $0x0  }
0x24: {  	s3 =	sadd.s32 $0x88, s3;
	s6 =	simm.s32 @!p1 $0x1082;
	[sflag:s4] =	ssyncset.s32 $0xFFFFF086  }
0x25: {  	[simem:s6], [sflag:s4] =	dma.local [hbm:s3], $0xF7A  }
0x26: {  	[smem:$0x3F94] =	sst s1;
	(tag) =	ssettag s2;
	_ =	strace s9  }
0x27: {  	s1 =	sld [smem:$0x3FA4]  }
0x28: {  	s2 =	sld [smem:$0x3FA5]  }
0x29: {  	s4 =	sld [smem:$0x3FA7]  }
0x2a: {  	p0 =	seq.s32 s5, $0x0;
	s5 =	sld [smem:$0x3FA8]  }
0x2b: {  	s6 =	sld [smem:$0x3FA9]  }
0x2c: {  	s7 =	sld [smem:$0x3FAA]  }
0x2d: {  	s3 =	simm.s32 $0x108;
	s8 =	sld [smem:$0x3FAB]  }
0x2e: {  	s3 =	simm.s32 @!p0 $0x1082;
	s9 =	sld [smem:$0x3FAC]  }
0x2f: {  	lr =	sadd.s32 s0, s3;
	s0 =	sld [smem:$0x3FA3]  }
0x30: {  	s3 =	sld [smem:$0x3FA6]  }
0x31: {  	[smem:$0x3FAF] =	sst s10  }
0x32: {  	s10 =	sld [smem:$0x3FAD];
	_ =	sdelay $0x3  }
0x33: {  	p0 =	seq.s32 s10, $0x1;
	s10 =	sld [smem:$0x3FAF];
	_ =	sdelay $0x3  }
0x34: {  	[smem:$0x3FAF] =	sst s10  }
0x35: {  	s10 =	sld [smem:$0x3FAE];
	_ =	sdelay $0x3  }
0x36: {  	p1 =	seq.s32 s10, $0x1;
	s10 =	sld [smem:$0x3FAF];
	_ =	sdelay $0x3  }
0x37: {  	[smem:$0x3FAF] =	sst s10  }
0x38: {  	s10 =	sld [smem:$0x3FB0]  }
0x39: {  	_ = 	snop;
	(pc) =	sbr.ind lr, $3  }
0x3a: {  	_ = 	snop  }
0x3b: {  	_ = 	snop  }
0x3c: {  	p2 =	seq.s32 s10, $0x1;
	s10 =	sld [smem:$0x3FAF]  }
0x3d: {  	_ =	shalt  }
0x3e: {  	_ =	shalt  }
0x3f: {  	_ =	shalt  }
0x40: {  	_ =	shalt  }
0x41: {  	_ =	shalt  }
0x42: {  	_ =	shalt  }
0x43: {  	_ =	shalt  }
0x44: {  	_ =	shalt  }
0x45: {  	_ =	shalt  }
0x46: {  	_ =	shalt  }
0x47: {  	_ =	shalt  }
0x48: {  	_ =	shalt  }
0x49: {  	_ =	shalt  }
0x4a: {  	_ =	shalt  }
0x4b: {  	_ =	shalt  }
0x4c: {  	_ =	shalt  }
0x4d: {  	_ =	shalt  }
0x4e: {  	_ =	shalt  }
0x4f: {  	_ =	shalt  }
0x50: {  	_ =	shalt  }
0x51: {  	_ =	shalt  }
0x52: {  	_ =	shalt  }
0x53: {  	_ =	shalt  }
0x54: {  	_ =	shalt  }
0x55: {  	_ =	shalt  }
0x56: {  	_ =	shalt  }
0x57: {  	_ =	shalt  }
0x58: {  	_ =	shalt  }
0x59: {  	_ =	shalt  }
0x5a: {  	_ =	shalt  }
0x5b: {  	_ =	shalt  }
0x5c: {  	_ =	shalt  }
0x5d: {  	_ =	shalt  }
0x5e: {  	_ =	shalt  }
0x5f: {  	_ =	shalt  }
0x60: {  	_ =	shalt  }
0x61: {  	_ =	shalt  }
0x62: {  	_ =	shalt  }
0x63: {  	_ =	shalt  }
0x64: {  	_ =	shalt  }
0x65: {  	_ =	shalt  }
0x66: {  	_ =	shalt  }
0x67: {  	_ =	shalt  }
0x68: {  	_ =	shalt  }
0x69: {  	_ =	shalt  }
0x6a: {  	_ =	shalt  }
0x6b: {  	_ =	shalt  }
0x6c: {  	_ =	shalt  }
0x6d: {  	_ =	shalt  }
0x6e: {  	_ =	shalt  }
0x6f: {  	_ =	shalt  }
0x70: {  	_ =	shalt  }
0x71: {  	_ =	shalt  }
0x72: {  	_ =	shalt  }
0x73: {  	_ =	shalt  }
0x74: {  	_ =	shalt  }
0x75: {  	_ =	shalt  }
0x76: {  	_ =	shalt  }
0x77: {  	_ =	shalt  }
0x78: {  	_ =	shalt  }
0x79: {  	_ =	shalt  }
0x7a: {  	_ =	shalt  }
0x7b: {  	_ =	shalt  }
0x7c: {  	_ =	shalt  }
0x7d: {  	_ =	shalt  }
0x7e: {  	_ =	shalt  }
0x7f: {  	_ =	shalt  }
0x80: {  	_ =	shalt  }
0x81: {  	_ =	shalt  }
0x82: {  	_ =	shalt  }
0x83: {  	_ =	shalt  }
0x84: {  	_ =	shalt  }
0x85: {  	_ =	shalt  }
0x86: {  	_ =	shalt  }
0x87: {  	_ =	shalt  }
.Lfunc_end0:
.L_simem_size_0:
called_computation_lowered:
.L_overlay_start_0:
0x88: {  	s2 =	sld [smem:$0x3FD9]  }
0x89: {  	s3 =	sld [smem:$0x3FFE];
	_ =	sdelay $0x1  }
0x8a: {  	s1 =	srdreg.scid  }
0x8b: {  	s0 =	sand.u32 $0x1, s1  }
0x8c: {  	s17 =	sshll.u32 s0, $0xA;
	s2 =	sadd.s32 s3, s2  }
0x8d: {  	s2 =	sadd.s32 s2, s17  }
0x8e: {  	[smem:$0x3FBB] =	sst s2  }
0x8f: {  	_ = 	snop  }
0x90: {  	s2 =	sld [smem:$0x3FC5]  }
0x91: {  	s18 =	sld [smem:$0x3FD0];
	(tm) =	ssettm $0x1  }
0x92: {  	s4 =	sld [smem:$0x3FFB];
	_ =	sdelay $0x3  }
0x93: {  	_ =	strace s4  }
0x94: {  	s4 =	sld [smem:$0x3FFC];
	_ =	sdelay $0x3  }
0x95: {  	_ =	strace s4  }
0x96: {  	s4 =	sld [smem:$0x3FFD];
	_ =	sdelay $0x3  }
0x97: {  	_ =	strace s4  }
0x98: {  	_ =	strace $0x8FFFFFFF  }
0x99: {  	s19 =	sld [smem:$0x3FDB];
	_ =	sdelay $0x1  }
0x9a: {  	s5 =	simm.s32 $_scs_section_size  }
0x9b: {  	s6 =	simm.s32 $_size__tile_overlayer_lowered;
	s7 =	simm.s32 $_tile_overlayer_lowered  }
0x9c: {  	s22 =	simm.s32 $0x1BFF;
	s21 =	sshll.u32 s7, $0x1;
	s4 =	sadd.s32 s5, s19  }
0x9d: {  	s8 =	simm.s32 $0x0;
	s20 =	sshll.u32 s6, $0x1;
	s6 =	sadd.s32 s21, s4  }
0x9e: {  	[timem:s8], [sflag:s22] =	dma.local [hbm:s6], s20  }
0x9f: {  	_ =	swait.ge [sflag:s22], s20  }
0xa0: {  	s5 =	ssub.s32 $0x0, s20;
	[sflag:s22] =	ssyncset.done $0x0  }
0xa1: {  	[sflag:s22] =	ssyncadd.s32 s5;
	_ =	sdelay $0x1  }
0xa2: {  	s23 =	simm.s32 $0x1B8B  }
0xa3: {  	_ =	swait.ge [sflag:s23], $0x1  }
0xa4: {  	[sflag:s23] =	ssyncset.done $0x0  }
0xa5: {  	s25 =	simm.s32 $0x1B8E;
	s24 =	sld [smem:$0x3FFE];
	[sflag:s23] =	ssyncadd.s32 $0xFFFFFFFF  }
0xa6: {  	s26 =	simm.s32 $execute0_lowered;
	[smem:$0x3FD2] =	sst s25  }
0xa7: {  	s6 =	sshll.u32 s26, $0x1;
	_ =	strace $0x80000046;
	[dreg:$0x1] =	wrdreg $0xFFFFFFFF  }
0xa8: {  	s28 =	simm.s32 $_size_execute0_lowered;
	s4 =	sadd.s32 s4, s6;
	[dreg:$0x0] =	wrdreg $0x0  }
0xa9: {  	s6 =	sshll.u32 s28, $0x1;
	[dreg:$0x2] =	wrdreg s4  }
0xaa: {  	[dreg:$0x3] =	wrdreg s6  }
0xab: {  	[dreg:$0x4] =	wrdreg $0xC0  }
0xac: {  	_ =	task [dreg:s8], $0x5FFFF  }
0xad: {  	[dreg:$0x1] =	wrdreg $0xFFFFFFFF  }
0xae: {  	[dreg:$0x0] =	wrdreg $0x60  }
0xaf: {  	[dreg:$0x2] =	wrdreg s2  }
0xb0: {  	[dreg:$0x3] =	wrdreg s24  }
0xb1: {  	[dreg:$0x4] =	wrdreg s18  }
0xb2: {  	[dreg:$0x5] =	wrdreg $0x9  }
0xb3: {  	_ =	task.clear_ibuf [dreg:s8], $0x6FFFF;
	_ =	strace $0x90000046  }
0xb4: {  	s29 =	simm.s32 $0x9;
	_ =	strace $0x80000048  }
0xb5: {  	_ =	swait.ge [sflag:s29], $0x1  }
0xb6: {  	[sflag:s29] =	ssyncadd.s32 $0xFFFFFFFF  }
0xb7: {  	_ =	strace $0x90000048  }
0xb8: {  	_ =	sfence  }
0xb9: {  	s30 =	sld [smem:$0x0];
	_ =	sdelay $0x2  }
0xba: {  	s31 =	sshll.u32 s1, $0xD;
	s1 =	sshrl.u32 s1, $0x2  }
0xbb: {  	s3 =	sand.u32 $0x4000, s31;
	s1 =	sadd.s32 s1, s30  }
0xbc: {  	s0 =	sor.u32 s3, s0;
	s1 =	sshll.u32 s1, $0x11  }
0xbd: {  	s0 =	sor.u32 s1, s0  }
0xbe: {  	s0 =	sadd.s32 $0x8F2B, s0  }
0xbf: {  	[sflag:s0] =	ssyncadd.remote.s32 $0x1  }
0xc0: {  	_ =	sfence.sel $0xFFFF  }
0xc1: {  	[dreg:$0x0] =	wrdreg $0xFFFFFFFF;
	(pc) =	sbr.abs _section_cstart, $3  }
0xc2: {  	[dreg:$0x1] =	wrdreg $0xFFFFFFFF  }
0xc3: {  	_ =	task.clear_ibuf [dreg:s8], $0x2FFFF;
	_ =	strace $0x9FFFFFFF  }
0xc4: {  	(tm) =	ssettm $0x7FFFFFFF  }
0xc5: {  	_ =	shalt  }
tec
execute0_lowered:
.L_overlay_start_1:
0x0: {  	(tag) =	ssettag $0x1  }
0x1: {  	s0 =	srdreg.scid  }
0x2: {  	s5 =	sand.u32 $0x1, s0;
	s0 =	stileid.u32  }
0x3: {  	s6 =	sshll.u32 s5, $0x4;
	s7 =	ssub.s32 $0x0, s0  }
0x4: {  	p0 =	sne.s32 s6, s7  }
.Ltmp0:
0x5: {  	_ = 	snop;
	(pc) =	sbr.rel @p0 .LBB2_3-.Ltmp0, $4  }
0x6: {  	s1 =	rddreg [dreg:$0x0]  }
0x7: {  	s4 =	rddreg [dreg:$0x1]  }
0x8: {  	s3 =	rddreg [dreg:$0x2]  }
0x9: {  	s2 =	rddreg [dreg:$0x3];
	_ =	strace $0x80000047  }
0xa: {  	s5 =	ssub.s32 $0x2, s5;
	s4 =	sadd.s32 $0x1A00, s4;
	s7 =	simm.s32 $0x2  }
0xb: {  	v2 =	vlaneseq.u32;
	s8 =	simm.s32 $0x80;
	s9 =	simm.s32 $0x880;
	s6 =	sshrl.u32 s5, $0x1  }
0xc: {  	vm0 =	vmmov $0xffff;
	s10 =	simm.s32 $0x1080;
	s11 =	simm.s32 $0x1880;
	v1 =	vshrl.u32 v2, $0x3;
	s5 =	ssub.s32 s5, s6  }
0xd: {  	s12 =	simm.s32 $0x1;
	v0 =	vand.u32 $0x7, v2;
	v2 =	vor.u32 $0x8, v2;
	s6 =	simm.s32 $0x0;
	v1 =	vmul.u32 $0x8, v1;
	s5 =	smax.u32 s5, $0x1  }
.LBB2_2:
0xe: {  	[tilespmem:s6], [sflag:$0x2] =	stream.linear.gather [hbm4b:s4+s6], $0x20, $0x38;
	[tilespmem:$0x2080] =	vst v63  }
0xf: {  	_ =	swait.ge [sflag:s7], $0x20  }
0x10: {  	[sflag:s7] =	ssyncset.done $0x0  }
0x11: {  	[sflag:s7] =	ssyncadd.s32 $0xFFFFFFE0  }
0x12: {  	v3 =	vld [tilespmem:$0x0];
	_ =	sdelay $0x4  }
0x13: {  	v4 =	vshll.u32 v3, $0x1  }
0x14: {  	v3 =	vand.u32 $0x7, v3;
	v4 =	vand.u32 $0xFFFFFFF0, v4  }
0x15: {  	v3 =	vor.u32 v3, v4  }
0x16: {  	v4 =	vperm.xlane v3, v0;
	_ =	sdelay $0x1  }
0x17: {  	v3 =	vperm.xlane v3, v2;
	v4 =	vadd.s32 v1, v4;
	_ =	sdelay $0x1  }
0x18: {  	v3 =	vadd.s32 v1, v3;
	_ =	sdelay $0x2  }
0x19: {  	[tilespmem:s8], [sflag:$0x1] =	stream.indirect_vreg.gather [hbm4b:s1+s6], $0x80, v4, vm0, $0xb8;
	[tilespmem:$0x2080] =	vst v63  }
0x1a: {  	_ = 	snop  }
0x1b: {  	[tilespmem:s9], [sflag:$0x1] =	stream.indirect_vreg.gather [hbm4b:s1+s6], $0x80, v3, vm0, $0xb8;
	[tilespmem:$0x2080] =	vst v63  }
0x1c: {  	v3 =	vld [tilespmem:$0x10];
	_ =	sdelay $0x4  }
0x1d: {  	v63 =	vshll.u32 v3, $0x1  }
0x1e: {  	v3 =	vand.u32 $0x7, v3;
	v4 =	vand.u32 $0xFFFFFFF0, v63  }
0x1f: {  	v3 =	vor.u32 v3, v4  }
0x20: {  	v4 =	vperm.xlane v3, v0;
	_ =	sdelay $0x1  }
0x21: {  	v3 =	vperm.xlane v3, v2;
	v4 =	vadd.s32 v1, v4;
	_ =	sdelay $0x1  }
0x22: {  	v3 =	vadd.s32 v1, v3;
	_ =	sdelay $0x2  }
0x23: {  	[tilespmem:s10], [sflag:$0x1] =	stream.indirect_vreg.gather [hbm4b:s1+s6], $0x80, v4, vm0, $0xb8;
	[tilespmem:$0x2080] =	vst v63  }
0x24: {  	_ = 	snop  }
0x25: {  	[tilespmem:s11], [sflag:$0x1] =	stream.indirect_vreg.gather [hbm4b:s1+s6], $0x80, v3, vm0, $0xb8;
	[tilespmem:$0x2080] =	vst v63  }
0x26: {  	_ =	swait.ge [sflag:s12], $0x2000  }
0x27: {  	p0 =	sne.s32 s5, $0x1;
	[sflag:s12] =	ssyncset.done $0x0  }
.Ltmp1:
0x28: {  	[sflag:s12] =	ssyncadd.s32 $0xFFFFE000;
	(pc) =	sbr.rel @p0 .LBB2_2-.Ltmp1, $4  }
0x29: {  	[hbm4b:s3+s6] =	stream.linear.scatter [tilespmem:s8], [sflag:$0x2], $0x2000, $0x38;
	[tilespmem:$0x2080] =	vst v63  }
0x2a: {  	_ =	swait.ge [sflag:s7], $0x2000  }
0x2b: {  	[sflag:s7] =	ssyncset.done $0x0  }
0x2c: {  	s5 =	sadd.s32 $0xFFFFFFFF, s5;
	[sflag:s7] =	ssyncadd.s32 $0xFFFFE000  }
.LBB2_3:
0x2d: {  	_ =	sfence.sel $0x180000  }
0x2e: {  	[bflag:$0x0] =	sbarrier.arrive $0xFFFF  }
0x2f: {  	p0 =	sne.s32 s0, $0x0;
	_ =	strace $0x90000047  }
0x30: {  	s0 =	sadd.s32 @!p0 $0x100000, s2;
	[bflag:$0x2] =	sbarrier.arrive $0xFFFF  }
0x31: {  	[sflag:s0] =	ssyncadd.tile.s32 @!p0 $0x1;
	_ =	shalt  }
.Lfunc_end2:
_tile_overlayer_lowered:
.L_overlay_start_2:
0x32: {  	(tag) =	ssettag $0x2  }
0x33: {  	s0 =	rddreg [dreg:$0x0];
	s2 =	stileid.u32  }
0x34: {  	s1 =	rddreg [dreg:$0x1];
	p0 =	sne.s32 s2, $0x0  }
0x35: {  	s3 =	rddreg [dreg:$0x2];
	[bflag:$0x3] =	sbarrier.arrive $0xFFFF;
	s2 =	simm.s32 @!p0 $0x1C02  }
0x36: {  	[timem:s3], [sflag:s2] =	dma.local @!p0 [hbm:s0], s1  }
0x37: {  	s0 =	simm.s32 @!p0 $0x2  }
0x38: {  	_ =	swait.ge @!p0 [sflag:s0], s1  }
0x39: {  	s1 =	ssub.s32 @!p0 $0x0, s1;
	[sflag:s0] =	ssyncset.done @!p0 $0x0  }
0x3a: {  	[sflag:s0] =	ssyncadd.s32 @!p0 s1  }
0x3b: {  	[bflag:$0x3] =	sbarrier.arrive $0xFFFF  }
0x3c: {  	_ =	shalt  }

</sc_bundles>
